<compile_context>
chip_gen: v7x
topology: tpu7x:2x2x1
jax: 0.10.2.dev20260603
libtpu: 0.0.44.dev20260713+nightly
codegen_flags: <defaults>
</compile_context>

<pallas_src>
import functools

import jax
import jax.numpy as jnp
from jax import lax
from jax.experimental import pallas as pl
from jax.experimental.pallas import tpu as pltpu
from jax.experimental.pallas import tpu_sc as plsc

_POOL = 100000
_D = 768
_K = 8
_B = 32
_SEQ = 2048
_CHUNK = 10000
_NCHUNK = _POOL // _CHUNK

_NEG = float("-inf")
_BIGI = 2**30


_XROWS = 4


def _xnorm_body(x_ref, w_ref, o_ref):
    x = x_ref[...]
    m = jnp.max(x, axis=1)
    p = lax.dot_general(m, w_ref[...], (((1,), (1,)), ((), ())),
                        preferred_element_type=jnp.float32)
    n2 = jnp.sum(p * p, axis=1, keepdims=True)
    o_ref[...] = (p * lax.rsqrt(jnp.maximum(n2, 1e-12)))[:, None, :]


def _select8(vals, idxs):
    out_v, out_i = [], []
    for _ in range(_K):
        m = jnp.max(vals, axis=1, keepdims=True)
        sel = jnp.min(jnp.where(vals == m, idxs, _BIGI), axis=1, keepdims=True)
        vals = jnp.where(idxs == sel, _NEG, vals)
        out_v.append(m)
        out_i.append(sel)
    return jnp.concatenate(out_v, axis=1), jnp.concatenate(out_i, axis=1)


def _topk_body(xn_ref, p_ref, idx_ref, sum_ref, rv_ref, ri_ref):
    g = pl.program_id(0)

    @pl.when(g == 0)
    def _init():
        rv_ref[...] = jnp.full((_B, _K), _NEG, jnp.float32)
        ri_ref[...] = jnp.full((_B, _K), _BIGI, jnp.int32)

    chunk = p_ref[...]
    n2 = jnp.sum(chunk * chunk, axis=1, keepdims=True)
    cn = chunk * lax.rsqrt(jnp.maximum(n2, 1e-12))
    sims = lax.dot_general(xn_ref[...], cn, (((1,), (1,)), ((), ())),
                           preferred_element_type=jnp.float32)
    col = lax.broadcasted_iota(jnp.int32, (_B, _CHUNK), 1) + g * _CHUNK
    cv, ci = _select8(sims, col)
    vals = jnp.concatenate([rv_ref[...], cv], axis=1)
    idxs = jnp.concatenate([ri_ref[...], ci], axis=1)
    nv, ni = _select8(vals, idxs)
    rv_ref[...] = nv
    ri_ref[...] = ni

    @pl.when(g == _NCHUNK - 1)
    def _fin():
        idx_ref[...] = ri_ref[...]
        sum_ref[0, 0] = jnp.sum(rv_ref[...])


_xnorm_call = pl.pallas_call(
    _xnorm_body,
    grid=(_B // _XROWS,),
    in_specs=[
        pl.BlockSpec((_XROWS, _SEQ, _D), lambda b: (b, 0, 0)),
        pl.BlockSpec((_D, _D), lambda b: (0, 0)),
    ],
    out_specs=pl.BlockSpec((_XROWS, 1, _D), lambda b: (b, 0, 0)),
    out_shape=jax.ShapeDtypeStruct((_B, 1, _D), jnp.float32),
    compiler_params=pltpu.CompilerParams(vmem_limit_bytes=110 * 1024 * 1024),
)

_topk_call = pl.pallas_call(
    _topk_body,
    grid=(_NCHUNK,),
    in_specs=[
        pl.BlockSpec((_B, _D), lambda g: (0, 0)),
        pl.BlockSpec((_CHUNK, _D), lambda g: (g, 0)),
    ],
    out_specs=[
        pl.BlockSpec((_B, _K), lambda g: (0, 0)),
        pl.BlockSpec(memory_space=pltpu.SMEM),
    ],
    out_shape=[
        jax.ShapeDtypeStruct((_B, _K), jnp.int32),
        jax.ShapeDtypeStruct((1, 1), jnp.float32),
    ],
    scratch_shapes=[
        pltpu.VMEM((_B, _K), jnp.float32),
        pltpu.VMEM((_B, _K), jnp.int32),
    ],
    compiler_params=pltpu.CompilerParams(vmem_limit_bytes=110 * 1024 * 1024),
)


def _make_gather():
    info = plsc.get_sparse_core_info()
    nc, ns = info.num_cores, info.num_subcores
    nw = nc * ns
    bpw = (_B * _K) // nw
    mesh = plsc.VectorSubcoreMesh(core_axis_name="c", subcore_axis_name="s")

    @functools.partial(
        pl.kernel, mesh=mesh,
        out_type=jax.ShapeDtypeStruct((_B * _K, _D), jnp.float32),
        scratch_types=[
            pltpu.VMEM((bpw,), jnp.int32),
            pltpu.VMEM((bpw, _D), jnp.float32),
            pltpu.SemaphoreType.DMA,
        ],
    )
    def gather(table_hbm, idx_hbm, out_hbm, idx_v, rows_v, sem):
        wid = lax.axis_index("s") * nc + lax.axis_index("c")
        base = wid * bpw
        pltpu.sync_copy(idx_hbm.at[pl.ds(base, bpw)], idx_v)
        pltpu.async_copy(table_hbm.at[idx_v], rows_v, sem).wait()
        pltpu.sync_copy(rows_v, out_hbm.at[pl.ds(base, bpw)])

    return gather


def kernel(x_embed, prompt, W):
    xn = _xnorm_call(x_embed, W).reshape(_B, _D)
    idx, ssum = _topk_call(xn, prompt)
    rows = _make_gather()(prompt, idx.reshape(-1))
    batched_prompt = rows.reshape(_B, _K, _D)
    reduce_sim = ssum[0, 0] / jnp.float32(_B)
    return (reduce_sim, batched_prompt)

# --- scband reference (transcript-rebuilt; emitter-appended) ---
"""Pipeline reference for scband-pool-88776974008963 (READ-ONLY COPY).

The authoritative reference and input builder live on the scoring server;
editing this copy changes nothing except your own understanding.
"""

import jax, jax.numpy as jnp
import numpy as np
import math

POOL_SIZE = 100000
EMBED_DIM = 768
TOP_K = 8
PATCH = 16
BATCH = 32
SEQ = 2048


def _l2_normalize(x, axis, eps=1e-12):
    square_sum = jnp.sum(x * x, axis=axis, keepdims=True)
    x_inv_norm = jax.lax.rsqrt(jnp.maximum(square_sum, jnp.asarray(eps, x.dtype)))
    return x * x_inv_norm


def setup_inputs(seed: int = 0) -> dict:
    key = jax.random.key(seed)
    k1, k2, k3 = jax.random.split(key, 3)
    x_embed = jax.random.normal(k1, (BATCH, SEQ, EMBED_DIM), dtype=jnp.float32)
    val = math.sqrt(6.0 / float(3 * PATCH * PATCH + EMBED_DIM))
    prompt = jax.random.uniform(k2, (POOL_SIZE, EMBED_DIM), minval=-val, maxval=val, dtype=jnp.float32)
    W = jax.random.uniform(k3, (EMBED_DIM, EMBED_DIM), minval=-1.0, maxval=1.0, dtype=jnp.float32)
    return {"x_embed": x_embed, "prompt": prompt, "W": W}


def reference(x_embed, prompt, W):
    # embedding_key == 'cls' with cls_features=None -> max over sequence dim
    x_embed_mean = jnp.max(x_embed, axis=1)
    # features_proj (nn.Linear, bias=False): y = x @ W.T ; dropout p=0.0 is identity
    x_embed_mean = x_embed_mean @ W.T
    prompt_norm = _l2_normalize(prompt, axis=1)
    x_embed_norm = _l2_normalize(x_embed_mean, axis=1)
    similarity = x_embed_norm @ prompt_norm.T  # [B, pool_size]
    _, idx = jax.lax.top_k(similarity, TOP_K)  # [B, top_k]
    # batchwise_prompt=False path
    batched_prompt = prompt[idx]               # [B, top_k, D] gather
    batched_key_norm = prompt_norm[idx]        # [B, top_k, D] gather
    x_embed_norm_e = x_embed_norm[:, None, :]
    sim = batched_key_norm * x_embed_norm_e
    reduce_sim = jnp.sum(sim) / x_embed.shape[0]
    return (reduce_sim, batched_prompt)

if __name__ == "__main__":
    import jax
    _d = setup_inputs()
    print(jax.jit(kernel)(*tuple(_d.values())))

</pallas_src>

<mosaic_0001>
#map = affine_map<(d0, d1) -> (0, 0)>
#map1 = affine_map<(d0, d1) -> (0)>
module attributes {stable_mosaic.version = 14 : i64} {
  func.func @gather(%arg0: i32, %arg1: i32, %arg2: memref<100000x768xf32, #tpu.memory_space<hbm>>, %arg3: memref<256xi32, #tpu.memory_space<hbm>>, %arg4: memref<256x768xf32, #tpu.memory_space<hbm>>, %arg5: memref<8xi32, #tpu.memory_space<vmem>>, %arg6: memref<8x768xf32, #tpu.memory_space<vmem>>, %arg7: memref<!tpu.dma_semaphore, #tpu.memory_space<semaphore_mem>>) attributes {dimension_semantics = [#tpu.dimension_semantics<core_parallel>, #tpu.dimension_semantics<subcore_parallel>], iteration_bounds = array<i64: 2, 16>, scalar_prefetch = 0 : i64, scratch_operands = 3 : i64, tpu.core_type = #tpu.core_type<sc_vector_subcore>, window_params = [{transform_indices = #map}, {transform_indices = #map1}, {transform_indices = #map}]} {
    %mul3A = arith.constant 2 : i32
    %mul3A_0 = arith.muli %arg1, %mul3A : i32
    %add3A = arith.addi %mul3A_0, %arg0 : i32
    %mul3A_1 = arith.constant 8 : i32
    %mul3A_2 = arith.muli %add3A, %mul3A_1 : i32
    "tpu.region"() ({
      %run_scoped3A = tpu.sem_alloc : memref<!tpu.dma_semaphore, #tpu.memory_space<semaphore_mem>>
      %dma_start3A_7 = tpu.memref_slice %arg3[%mul3A_2] : memref<256xi32, #tpu.memory_space<hbm>> -> memref<8xi32, #tpu.memory_space<hbm>>
      %dma_start3A_8 = tpu.memref_slice %arg3[%mul3A_2] : memref<256xi32, #tpu.memory_space<hbm>> -> memref<8xi32, #tpu.memory_space<hbm>>
      tpu.enqueue_dma source(%dma_start3A_8 : memref<8xi32, #tpu.memory_space<hbm>>) target(%arg5 : memref<8xi32, #tpu.memory_space<vmem>>) target_semaphore(%run_scoped3A : memref<!tpu.dma_semaphore, #tpu.memory_space<semaphore_mem>>)
      %dma_wait3A_9 = tpu.memref_slice %arg3[%mul3A_2] : memref<256xi32, #tpu.memory_space<hbm>> -> memref<8xi32, #tpu.memory_space<hbm>>
      %dma_wait3A_10 = tpu.memref_slice %arg3[%mul3A_2] : memref<256xi32, #tpu.memory_space<hbm>> -> memref<8xi32, #tpu.memory_space<hbm>>
      tpu.wait_dma2 semaphore(%run_scoped3A : memref<!tpu.dma_semaphore, #tpu.memory_space<semaphore_mem>>) src(%dma_wait3A_10 : memref<8xi32, #tpu.memory_space<hbm>>) dst(%arg5 : memref<8xi32, #tpu.memory_space<vmem>>)
      tpu.yield
    }) : () -> ()
    %dma_start3A = arith.constant 0 : i32
    %dma_start3A_3 = arith.constant 0 : i32
    %dma_start3A_4 = tpu.memref_slice %arg2[%dma_start3A, %dma_start3A_3] : memref<100000x768xf32, #tpu.memory_space<hbm>> -> memref<100000x768xf32, #tpu.memory_space<hbm>>
    tpu.enqueue_indirect_dma source(%dma_start3A_4 : memref<100000x768xf32, #tpu.memory_space<hbm>>) target(%arg6 : memref<8x768xf32, #tpu.memory_space<vmem>>) offsets(%arg5 : memref<8xi32, #tpu.memory_space<vmem>>) semaphore(%arg7 : memref<!tpu.dma_semaphore, #tpu.memory_space<semaphore_mem>>)
    %dma_wait3A = arith.constant 0 : i32
    %dma_wait3A_5 = arith.constant 0 : i32
    %dma_wait3A_6 = tpu.memref_slice %arg2[%dma_wait3A, %dma_wait3A_5] : memref<100000x768xf32, #tpu.memory_space<hbm>> -> memref<100000x768xf32, #tpu.memory_space<hbm>>
    tpu.wait_indirect_dma semaphore(%arg7 : memref<!tpu.dma_semaphore, #tpu.memory_space<semaphore_mem>>) src(%dma_wait3A_6 : memref<100000x768xf32, #tpu.memory_space<hbm>>) dst(%arg6 : memref<8x768xf32, #tpu.memory_space<vmem>>)
    "tpu.region"() ({
      %run_scoped3A = tpu.sem_alloc : memref<!tpu.dma_semaphore, #tpu.memory_space<semaphore_mem>>
      %dma_start3A_7 = arith.constant 0 : i32
      %dma_start3A_8 = tpu.memref_slice %arg4[%mul3A_2, %dma_start3A_7] : memref<256x768xf32, #tpu.memory_space<hbm>> -> memref<8x768xf32, #tpu.memory_space<hbm>>
      %dma_start3A_9 = arith.constant 0 : i32
      %dma_start3A_10 = tpu.memref_slice %arg4[%mul3A_2, %dma_start3A_9] : memref<256x768xf32, #tpu.memory_space<hbm>> -> memref<8x768xf32, #tpu.memory_space<hbm>>
      tpu.enqueue_dma source(%arg6 : memref<8x768xf32, #tpu.memory_space<vmem>>) target(%dma_start3A_10 : memref<8x768xf32, #tpu.memory_space<hbm>>) target_semaphore(%run_scoped3A : memref<!tpu.dma_semaphore, #tpu.memory_space<semaphore_mem>>)
      %dma_wait3A_11 = arith.constant 0 : i32
      %dma_wait3A_12 = tpu.memref_slice %arg4[%mul3A_2, %dma_wait3A_11] : memref<256x768xf32, #tpu.memory_space<hbm>> -> memref<8x768xf32, #tpu.memory_space<hbm>>
      %dma_wait3A_13 = arith.constant 0 : i32
      %dma_wait3A_14 = tpu.memref_slice %arg4[%mul3A_2, %dma_wait3A_13] : memref<256x768xf32, #tpu.memory_space<hbm>> -> memref<8x768xf32, #tpu.memory_space<hbm>>
      tpu.wait_dma2 semaphore(%run_scoped3A : memref<!tpu.dma_semaphore, #tpu.memory_space<semaphore_mem>>) src(%arg6 : memref<8x768xf32, #tpu.memory_space<vmem>>) dst(%dma_wait3A_14 : memref<8x768xf32, #tpu.memory_space<hbm>>)
      tpu.yield
    }) : () -> ()
    return
  }
}

module attributes {stable_mosaic.version = 14 : i64} {
  func.func @_topk_body(%arg0: i32, %arg1: memref<32x768xf32, #tpu.memory_space<vmem>>, %arg2: memref<10000x768xf32, #tpu.memory_space<vmem>>, %arg3: memref<32x8xi32, #tpu.memory_space<vmem>>, %arg4: memref<1x1xf32, #tpu.memory_space<smem>>, %arg5: memref<32x8xf32, #tpu.memory_space<vmem>>, %arg6: memref<32x8xi32, #tpu.memory_space<vmem>>) attributes {dimension_semantics = [#tpu.dimension_semantics<arbitrary>], iteration_bounds = array<i64: 10>, scalar_prefetch = 0 : i64, scratch_operands = 2 : i64, tpu.core_type = #tpu.core_type<tc>, window_params = [{pipeline_mode = #tpu.pipeline_mode<synchronous>, transform_indices = @transform_0, window_bounds = array<i64: 32, 768>}, {transform_indices = @transform_1, window_bounds = array<i64: 10000, 768>}, {pipeline_mode = #tpu.pipeline_mode<synchronous>, transform_indices = @transform_2, window_bounds = array<i64: 32, 8>}, {transform_indices = @transform_3, window_bounds = array<i64: 1, 1>}]} {
    %eq3A = arith.constant 0 : i32
    %eq3A_0 = arith.cmpi eq, %arg0, %eq3A : i32
    %convert_element_type3A = arith.extui %eq3A_0 : i1 to i32
    %cond3A = arith.constant 0 : i32
    %cond3A_1 = arith.cmpi ne, %convert_element_type3A, %cond3A : i32
    scf.if %cond3A_1 {
      %broadcast_in_dim3A_279 = arith.constant 0xFF800000 : f32
      %broadcast_in_dim3A_280 = vector.broadcast %broadcast_in_dim3A_279 : f32 to vector<32x8xf32>
      %swap3A_281 = arith.constant 0 : index
      %swap3A_282 = arith.constant 0 : index
      %swap3A_283 = vector.load %arg5[%swap3A_281, %swap3A_282] : memref<32x8xf32, #tpu.memory_space<vmem>>, vector<32x8xf32>
      tpu.vector_store %arg5[%swap3A_281, %swap3A_282], %broadcast_in_dim3A_280 {strides = array<i32>} : memref<32x8xf32, #tpu.memory_space<vmem>>, vector<32x8xf32>,
      %broadcast_in_dim3A_284 = arith.constant 1073741824 : i32
      %broadcast_in_dim3A_285 = vector.broadcast %broadcast_in_dim3A_284 : i32 to vector<32x8xi32>
      %swap3A_286 = arith.constant 0 : index
      %swap3A_287 = arith.constant 0 : index
      %swap3A_288 = vector.load %arg6[%swap3A_286, %swap3A_287] : memref<32x8xi32, #tpu.memory_space<vmem>>, vector<32x8xi32>
      tpu.vector_store %arg6[%swap3A_286, %swap3A_287], %broadcast_in_dim3A_285 {strides = array<i32>} : memref<32x8xi32, #tpu.memory_space<vmem>>, vector<32x8xi32>,
    } else {
    }
    %get3A = arith.constant 0 : index
    %get3A_2 = arith.constant 0 : index
    %get3A_3 = vector.load %arg2[%get3A, %get3A_2] : memref<10000x768xf32, #tpu.memory_space<vmem>>, vector<10000x768xf32>
    %mul3A = arith.mulf %get3A_3, %get3A_3 : vector<10000x768xf32>
    %reduce_sum3A = arith.constant dense<0.000000e+00> : vector<10000xf32>
    %reduce_sum3A_4 = vector.multi_reduction <add>, %mul3A, %reduce_sum3A [1] : vector<10000x768xf32> to vector<10000xf32>
    %broadcast_in_dim3A = vector.shape_cast %reduce_sum3A_4 : vector<10000xf32> to vector<10000x1xf32>
    %max3A = arith.constant 9.99999996E-13 : f32
    %max3A_5 = vector.broadcast %max3A : f32 to vector<10000x1xf32>
    %max3A_6 = arith.maximumf %broadcast_in_dim3A, %max3A_5 : vector<10000x1xf32>
    %rsqrt3A = math.rsqrt %max3A_6 : vector<10000x1xf32>
    %mul3A_7 = vector.broadcast %rsqrt3A : vector<10000x1xf32> to vector<10000x768xf32>
    %mul3A_8 = arith.mulf %get3A_3, %mul3A_7 : vector<10000x768xf32>
    %get3A_9 = arith.constant 0 : index
    %get3A_10 = arith.constant 0 : index
    %get3A_11 = vector.load %arg1[%get3A_9, %get3A_10] : memref<32x768xf32, #tpu.memory_space<vmem>>, vector<32x768xf32>
    %dot_general3A = arith.constant dense<0.000000e+00> : vector<32x10000xf32>
    %dot_general3A_12 = tpu.matmul %get3A_11, %mul3A_8, %dot_general3A {dimension_numbers = #tpu.dot_dimension_numbers<[1], [1], [0], [0], [0, 0, 1, 0], [], []>, transpose_lhs_hint = false} : vector<32x768xf32>, vector<10000x768xf32>, vector<32x10000xf32> -> vector<32x10000xf32>
    %iota3A = tpu.iota {dimensions = array<i32: 1>} : vector<32x10000xi32>
    %mul3A_13 = arith.constant 10000 : i32
    %mul3A_14 = arith.muli %arg0, %mul3A_13 : i32
    %add3A = vector.broadcast %mul3A_14 : i32 to vector<32x10000xi32>
    %add3A_15 = arith.addi %iota3A, %add3A : vector<32x10000xi32>
    %reduce_max3A = arith.constant dense<0xFF800000> : vector<32xf32>
    %reduce_max3A_16 = vector.multi_reduction <maximumf>, %dot_general3A_12, %reduce_max3A [1] : vector<32x10000xf32> to vector<32xf32>
    %broadcast_in_dim3A_17 = vector.shape_cast %reduce_max3A_16 : vector<32xf32> to vector<32x1xf32>
    %eq3A_18 = vector.broadcast %broadcast_in_dim3A_17 : vector<32x1xf32> to vector<32x10000xf32>
    %eq3A_19 = arith.cmpf oeq, %dot_general3A_12, %eq3A_18 : vector<32x10000xf32>
    %jit3A = arith.constant 1073741824 : i32
    %broadcast_in_dim3A_20 = vector.broadcast %jit3A : i32 to vector<32x10000xi32>
    %select_n3A = arith.select %eq3A_19, %add3A_15, %broadcast_in_dim3A_20 : vector<32x10000xi1>, vector<32x10000xi32>
    %reduce_min3A = arith.constant dense<2147483647> : vector<32xi32>
    %reduce_min3A_21 = vector.multi_reduction <minsi>, %select_n3A, %reduce_min3A [1] : vector<32x10000xi32> to vector<32xi32>
    %broadcast_in_dim3A_22 = vector.shape_cast %reduce_min3A_21 : vector<32xi32> to vector<32x1xi32>
    %eq3A_23 = vector.broadcast %broadcast_in_dim3A_22 : vector<32x1xi32> to vector<32x10000xi32>
    %eq3A_24 = arith.cmpi eq, %add3A_15, %eq3A_23 : vector<32x10000xi32>
    %jit3A_25 = arith.constant 0xFF800000 : f32
    %broadcast_in_dim3A_26 = vector.broadcast %jit3A_25 : f32 to vector<32x10000xf32>
    %select_n3A_27 = arith.select %eq3A_24, %broadcast_in_dim3A_26, %dot_general3A_12 : vector<32x10000xi1>, vector<32x10000xf32>
    %reduce_max3A_28 = arith.constant dense<0xFF800000> : vector<32xf32>
    %reduce_max3A_29 = vector.multi_reduction <maximumf>, %select_n3A_27, %reduce_max3A_28 [1] : vector<32x10000xf32> to vector<32xf32>
    %broadcast_in_dim3A_30 = vector.shape_cast %reduce_max3A_29 : vector<32xf32> to vector<32x1xf32>
    %eq3A_31 = vector.broadcast %broadcast_in_dim3A_30 : vector<32x1xf32> to vector<32x10000xf32>
    %eq3A_32 = arith.cmpf oeq, %select_n3A_27, %eq3A_31 : vector<32x10000xf32>
    %jit3A_33 = arith.constant 1073741824 : i32
    %broadcast_in_dim3A_34 = vector.broadcast %jit3A_33 : i32 to vector<32x10000xi32>
    %select_n3A_35 = arith.select %eq3A_32, %add3A_15, %broadcast_in_dim3A_34 : vector<32x10000xi1>, vector<32x10000xi32>
    %reduce_min3A_36 = arith.constant dense<2147483647> : vector<32xi32>
    %reduce_min3A_37 = vector.multi_reduction <minsi>, %select_n3A_35, %reduce_min3A_36 [1] : vector<32x10000xi32> to vector<32xi32>
    %broadcast_in_dim3A_38 = vector.shape_cast %reduce_min3A_37 : vector<32xi32> to vector<32x1xi32>
    %eq3A_39 = vector.broadcast %broadcast_in_dim3A_38 : vector<32x1xi32> to vector<32x10000xi32>
    %eq3A_40 = arith.cmpi eq, %add3A_15, %eq3A_39 : vector<32x10000xi32>
    %jit3A_41 = arith.constant 0xFF800000 : f32
    %broadcast_in_dim3A_42 = vector.broadcast %jit3A_41 : f32 to vector<32x10000xf32>
    %select_n3A_43 = arith.select %eq3A_40, %broadcast_in_dim3A_42, %select_n3A_27 : vector<32x10000xi1>, vector<32x10000xf32>
    %reduce_max3A_44 = arith.constant dense<0xFF800000> : vector<32xf32>
    %reduce_max3A_45 = vector.multi_reduction <maximumf>, %select_n3A_43, %reduce_max3A_44 [1] : vector<32x10000xf32> to vector<32xf32>
    %broadcast_in_dim3A_46 = vector.shape_cast %reduce_max3A_45 : vector<32xf32> to vector<32x1xf32>
    %eq3A_47 = vector.broadcast %broadcast_in_dim3A_46 : vector<32x1xf32> to vector<32x10000xf32>
    %eq3A_48 = arith.cmpf oeq, %select_n3A_43, %eq3A_47 : vector<32x10000xf32>
    %jit3A_49 = arith.constant 1073741824 : i32
    %broadcast_in_dim3A_50 = vector.broadcast %jit3A_49 : i32 to vector<32x10000xi32>
    %select_n3A_51 = arith.select %eq3A_48, %add3A_15, %broadcast_in_dim3A_50 : vector<32x10000xi1>, vector<32x10000xi32>
    %reduce_min3A_52 = arith.constant dense<2147483647> : vector<32xi32>
    %reduce_min3A_53 = vector.multi_reduction <minsi>, %select_n3A_51, %reduce_min3A_52 [1] : vector<32x10000xi32> to vector<32xi32>
    %broadcast_in_dim3A_54 = vector.shape_cast %reduce_min3A_53 : vector<32xi32> to vector<32x1xi32>
    %eq3A_55 = vector.broadcast %broadcast_in_dim3A_54 : vector<32x1xi32> to vector<32x10000xi32>
    %eq3A_56 = arith.cmpi eq, %add3A_15, %eq3A_55 : vector<32x10000xi32>
    %jit3A_57 = arith.constant 0xFF800000 : f32
    %broadcast_in_dim3A_58 = vector.broadcast %jit3A_57 : f32 to vector<32x10000xf32>
    %select_n3A_59 = arith.select %eq3A_56, %broadcast_in_dim3A_58, %select_n3A_43 : vector<32x10000xi1>, vector<32x10000xf32>
    %reduce_max3A_60 = arith.constant dense<0xFF800000> : vector<32xf32>
    %reduce_max3A_61 = vector.multi_reduction <maximumf>, %select_n3A_59, %reduce_max3A_60 [1] : vector<32x10000xf32> to vector<32xf32>
    %broadcast_in_dim3A_62 = vector.shape_cast %reduce_max3A_61 : vector<32xf32> to vector<32x1xf32>
    %eq3A_63 = vector.broadcast %broadcast_in_dim3A_62 : vector<32x1xf32> to vector<32x10000xf32>
    %eq3A_64 = arith.cmpf oeq, %select_n3A_59, %eq3A_63 : vector<32x10000xf32>
    %jit3A_65 = arith.constant 1073741824 : i32
    %broadcast_in_dim3A_66 = vector.broadcast %jit3A_65 : i32 to vector<32x10000xi32>
    %select_n3A_67 = arith.select %eq3A_64, %add3A_15, %broadcast_in_dim3A_66 : vector<32x10000xi1>, vector<32x10000xi32>
    %reduce_min3A_68 = arith.constant dense<2147483647> : vector<32xi32>
    %reduce_min3A_69 = vector.multi_reduction <minsi>, %select_n3A_67, %reduce_min3A_68 [1] : vector<32x10000xi32> to vector<32xi32>
    %broadcast_in_dim3A_70 = vector.shape_cast %reduce_min3A_69 : vector<32xi32> to vector<32x1xi32>
    %eq3A_71 = vector.broadcast %broadcast_in_dim3A_70 : vector<32x1xi32> to vector<32x10000xi32>
    %eq3A_72 = arith.cmpi eq, %add3A_15, %eq3A_71 : vector<32x10000xi32>
    %jit3A_73 = arith.constant 0xFF800000 : f32
    %broadcast_in_dim3A_74 = vector.broadcast %jit3A_73 : f32 to vector<32x10000xf32>
    %select_n3A_75 = arith.select %eq3A_72, %broadcast_in_dim3A_74, %select_n3A_59 : vector<32x10000xi1>, vector<32x10000xf32>
    %reduce_max3A_76 = arith.constant dense<0xFF800000> : vector<32xf32>
    %reduce_max3A_77 = vector.multi_reduction <maximumf>, %select_n3A_75, %reduce_max3A_76 [1] : vector<32x10000xf32> to vector<32xf32>
    %broadcast_in_dim3A_78 = vector.shape_cast %reduce_max3A_77 : vector<32xf32> to vector<32x1xf32>
    %eq3A_79 = vector.broadcast %broadcast_in_dim3A_78 : vector<32x1xf32> to vector<32x10000xf32>
    %eq3A_80 = arith.cmpf oeq, %select_n3A_75, %eq3A_79 : vector<32x10000xf32>
    %jit3A_81 = arith.constant 1073741824 : i32
    %broadcast_in_dim3A_82 = vector.broadcast %jit3A_81 : i32 to vector<32x10000xi32>
    %select_n3A_83 = arith.select %eq3A_80, %add3A_15, %broadcast_in_dim3A_82 : vector<32x10000xi1>, vector<32x10000xi32>
    %reduce_min3A_84 = arith.constant dense<2147483647> : vector<32xi32>
    %reduce_min3A_85 = vector.multi_reduction <minsi>, %select_n3A_83, %reduce_min3A_84 [1] : vector<32x10000xi32> to vector<32xi32>
    %broadcast_in_dim3A_86 = vector.shape_cast %reduce_min3A_85 : vector<32xi32> to vector<32x1xi32>
    %eq3A_87 = vector.broadcast %broadcast_in_dim3A_86 : vector<32x1xi32> to vector<32x10000xi32>
    %eq3A_88 = arith.cmpi eq, %add3A_15, %eq3A_87 : vector<32x10000xi32>
    %jit3A_89 = arith.constant 0xFF800000 : f32
    %broadcast_in_dim3A_90 = vector.broadcast %jit3A_89 : f32 to vector<32x10000xf32>
    %select_n3A_91 = arith.select %eq3A_88, %broadcast_in_dim3A_90, %select_n3A_75 : vector<32x10000xi1>, vector<32x10000xf32>
    %reduce_max3A_92 = arith.constant dense<0xFF800000> : vector<32xf32>
    %reduce_max3A_93 = vector.multi_reduction <maximumf>, %select_n3A_91, %reduce_max3A_92 [1] : vector<32x10000xf32> to vector<32xf32>
    %broadcast_in_dim3A_94 = vector.shape_cast %reduce_max3A_93 : vector<32xf32> to vector<32x1xf32>
    %eq3A_95 = vector.broadcast %broadcast_in_dim3A_94 : vector<32x1xf32> to vector<32x10000xf32>
    %eq3A_96 = arith.cmpf oeq, %select_n3A_91, %eq3A_95 : vector<32x10000xf32>
    %jit3A_97 = arith.constant 1073741824 : i32
    %broadcast_in_dim3A_98 = vector.broadcast %jit3A_97 : i32 to vector<32x10000xi32>
    %select_n3A_99 = arith.select %eq3A_96, %add3A_15, %broadcast_in_dim3A_98 : vector<32x10000xi1>, vector<32x10000xi32>
    %reduce_min3A_100 = arith.constant dense<2147483647> : vector<32xi32>
    %reduce_min3A_101 = vector.multi_reduction <minsi>, %select_n3A_99, %reduce_min3A_100 [1] : vector<32x10000xi32> to vector<32xi32>
    %broadcast_in_dim3A_102 = vector.shape_cast %reduce_min3A_101 : vector<32xi32> to vector<32x1xi32>
    %eq3A_103 = vector.broadcast %broadcast_in_dim3A_102 : vector<32x1xi32> to vector<32x10000xi32>
    %eq3A_104 = arith.cmpi eq, %add3A_15, %eq3A_103 : vector<32x10000xi32>
    %jit3A_105 = arith.constant 0xFF800000 : f32
    %broadcast_in_dim3A_106 = vector.broadcast %jit3A_105 : f32 to vector<32x10000xf32>
    %select_n3A_107 = arith.select %eq3A_104, %broadcast_in_dim3A_106, %select_n3A_91 : vector<32x10000xi1>, vector<32x10000xf32>
    %reduce_max3A_108 = arith.constant dense<0xFF800000> : vector<32xf32>
    %reduce_max3A_109 = vector.multi_reduction <maximumf>, %select_n3A_107, %reduce_max3A_108 [1] : vector<32x10000xf32> to vector<32xf32>
    %broadcast_in_dim3A_110 = vector.shape_cast %reduce_max3A_109 : vector<32xf32> to vector<32x1xf32>
    %eq3A_111 = vector.broadcast %broadcast_in_dim3A_110 : vector<32x1xf32> to vector<32x10000xf32>
    %eq3A_112 = arith.cmpf oeq, %select_n3A_107, %eq3A_111 : vector<32x10000xf32>
    %jit3A_113 = arith.constant 1073741824 : i32
    %broadcast_in_dim3A_114 = vector.broadcast %jit3A_113 : i32 to vector<32x10000xi32>
    %select_n3A_115 = arith.select %eq3A_112, %add3A_15, %broadcast_in_dim3A_114 : vector<32x10000xi1>, vector<32x10000xi32>
    %reduce_min3A_116 = arith.constant dense<2147483647> : vector<32xi32>
    %reduce_min3A_117 = vector.multi_reduction <minsi>, %select_n3A_115, %reduce_min3A_116 [1] : vector<32x10000xi32> to vector<32xi32>
    %broadcast_in_dim3A_118 = vector.shape_cast %reduce_min3A_117 : vector<32xi32> to vector<32x1xi32>
    %eq3A_119 = vector.broadcast %broadcast_in_dim3A_118 : vector<32x1xi32> to vector<32x10000xi32>
    %eq3A_120 = arith.cmpi eq, %add3A_15, %eq3A_119 : vector<32x10000xi32>
    %jit3A_121 = arith.constant 0xFF800000 : f32
    %broadcast_in_dim3A_122 = vector.broadcast %jit3A_121 : f32 to vector<32x10000xf32>
    %select_n3A_123 = arith.select %eq3A_120, %broadcast_in_dim3A_122, %select_n3A_107 : vector<32x10000xi1>, vector<32x10000xf32>
    %reduce_max3A_124 = arith.constant dense<0xFF800000> : vector<32xf32>
    %reduce_max3A_125 = vector.multi_reduction <maximumf>, %select_n3A_123, %reduce_max3A_124 [1] : vector<32x10000xf32> to vector<32xf32>
    %broadcast_in_dim3A_126 = vector.shape_cast %reduce_max3A_125 : vector<32xf32> to vector<32x1xf32>
    %eq3A_127 = vector.broadcast %broadcast_in_dim3A_126 : vector<32x1xf32> to vector<32x10000xf32>
    %eq3A_128 = arith.cmpf oeq, %select_n3A_123, %eq3A_127 : vector<32x10000xf32>
    %jit3A_129 = arith.constant 1073741824 : i32
    %broadcast_in_dim3A_130 = vector.broadcast %jit3A_129 : i32 to vector<32x10000xi32>
    %select_n3A_131 = arith.select %eq3A_128, %add3A_15, %broadcast_in_dim3A_130 : vector<32x10000xi1>, vector<32x10000xi32>
    %reduce_min3A_132 = arith.constant dense<2147483647> : vector<32xi32>
    %reduce_min3A_133 = vector.multi_reduction <minsi>, %select_n3A_131, %reduce_min3A_132 [1] : vector<32x10000xi32> to vector<32xi32>
    %broadcast_in_dim3A_134 = vector.shape_cast %reduce_min3A_133 : vector<32xi32> to vector<32x1xi32>
    %concatenate3A = tpu.concatenate %broadcast_in_dim3A_17, %broadcast_in_dim3A_30, %broadcast_in_dim3A_46, %broadcast_in_dim3A_62, %broadcast_in_dim3A_78, %broadcast_in_dim3A_94, %broadcast_in_dim3A_110, %broadcast_in_dim3A_126 in 1 : vector<32x1xf32>, vector<32x1xf32>, vector<32x1xf32>, vector<32x1xf32>, vector<32x1xf32>, vector<32x1xf32>, vector<32x1xf32>, vector<32x1xf32> -> vector<32x8xf32>
    %concatenate3A_135 = tpu.concatenate %broadcast_in_dim3A_22, %broadcast_in_dim3A_38, %broadcast_in_dim3A_54, %broadcast_in_dim3A_70, %broadcast_in_dim3A_86, %broadcast_in_dim3A_102, %broadcast_in_dim3A_118, %broadcast_in_dim3A_134 in 1 : vector<32x1xi32>, vector<32x1xi32>, vector<32x1xi32>, vector<32x1xi32>, vector<32x1xi32>, vector<32x1xi32>, vector<32x1xi32>, vector<32x1xi32> -> vector<32x8xi32>
    %get3A_136 = arith.constant 0 : index
    %get3A_137 = arith.constant 0 : index
    %get3A_138 = vector.load %arg5[%get3A_136, %get3A_137] : memref<32x8xf32, #tpu.memory_space<vmem>>, vector<32x8xf32>
    %concatenate3A_139 = tpu.concatenate %get3A_138, %concatenate3A in 1 : vector<32x8xf32>, vector<32x8xf32> -> vector<32x16xf32>
    %get3A_140 = arith.constant 0 : index
    %get3A_141 = arith.constant 0 : index
    %get3A_142 = vector.load %arg6[%get3A_140, %get3A_141] : memref<32x8xi32, #tpu.memory_space<vmem>>, vector<32x8xi32>
    %concatenate3A_143 = tpu.concatenate %get3A_142, %concatenate3A_135 in 1 : vector<32x8xi32>, vector<32x8xi32> -> vector<32x16xi32>
    %reduce_max3A_144 = arith.constant dense<0xFF800000> : vector<32xf32>
    %reduce_max3A_145 = vector.multi_reduction <maximumf>, %concatenate3A_139, %reduce_max3A_144 [1] : vector<32x16xf32> to vector<32xf32>
    %broadcast_in_dim3A_146 = vector.shape_cast %reduce_max3A_145 : vector<32xf32> to vector<32x1xf32>
    %eq3A_147 = vector.broadcast %broadcast_in_dim3A_146 : vector<32x1xf32> to vector<32x16xf32>
    %eq3A_148 = arith.cmpf oeq, %concatenate3A_139, %eq3A_147 : vector<32x16xf32>
    %jit3A_149 = arith.constant 1073741824 : i32
    %broadcast_in_dim3A_150 = vector.broadcast %jit3A_149 : i32 to vector<32x16xi32>
    %select_n3A_151 = arith.select %eq3A_148, %concatenate3A_143, %broadcast_in_dim3A_150 : vector<32x16xi1>, vector<32x16xi32>
    %reduce_min3A_152 = arith.constant dense<2147483647> : vector<32xi32>
    %reduce_min3A_153 = vector.multi_reduction <minsi>, %select_n3A_151, %reduce_min3A_152 [1] : vector<32x16xi32> to vector<32xi32>
    %broadcast_in_dim3A_154 = vector.shape_cast %reduce_min3A_153 : vector<32xi32> to vector<32x1xi32>
    %eq3A_155 = vector.broadcast %broadcast_in_dim3A_154 : vector<32x1xi32> to vector<32x16xi32>
    %eq3A_156 = arith.cmpi eq, %concatenate3A_143, %eq3A_155 : vector<32x16xi32>
    %jit3A_157 = arith.constant 0xFF800000 : f32
    %broadcast_in_dim3A_158 = vector.broadcast %jit3A_157 : f32 to vector<32x16xf32>
    %select_n3A_159 = arith.select %eq3A_156, %broadcast_in_dim3A_158, %concatenate3A_139 : vector<32x16xi1>, vector<32x16xf32>
    %reduce_max3A_160 = arith.constant dense<0xFF800000> : vector<32xf32>
    %reduce_max3A_161 = vector.multi_reduction <maximumf>, %select_n3A_159, %reduce_max3A_160 [1] : vector<32x16xf32> to vector<32xf32>
    %broadcast_in_dim3A_162 = vector.shape_cast %reduce_max3A_161 : vector<32xf32> to vector<32x1xf32>
    %eq3A_163 = vector.broadcast %broadcast_in_dim3A_162 : vector<32x1xf32> to vector<32x16xf32>
    %eq3A_164 = arith.cmpf oeq, %select_n3A_159, %eq3A_163 : vector<32x16xf32>
    %jit3A_165 = arith.constant 1073741824 : i32
    %broadcast_in_dim3A_166 = vector.broadcast %jit3A_165 : i32 to vector<32x16xi32>
    %select_n3A_167 = arith.select %eq3A_164, %concatenate3A_143, %broadcast_in_dim3A_166 : vector<32x16xi1>, vector<32x16xi32>
    %reduce_min3A_168 = arith.constant dense<2147483647> : vector<32xi32>
    %reduce_min3A_169 = vector.multi_reduction <minsi>, %select_n3A_167, %reduce_min3A_168 [1] : vector<32x16xi32> to vector<32xi32>
    %broadcast_in_dim3A_170 = vector.shape_cast %reduce_min3A_169 : vector<32xi32> to vector<32x1xi32>
    %eq3A_171 = vector.broadcast %broadcast_in_dim3A_170 : vector<32x1xi32> to vector<32x16xi32>
    %eq3A_172 = arith.cmpi eq, %concatenate3A_143, %eq3A_171 : vector<32x16xi32>
    %jit3A_173 = arith.constant 0xFF800000 : f32
    %broadcast_in_dim3A_174 = vector.broadcast %jit3A_173 : f32 to vector<32x16xf32>
    %select_n3A_175 = arith.select %eq3A_172, %broadcast_in_dim3A_174, %select_n3A_159 : vector<32x16xi1>, vector<32x16xf32>
    %reduce_max3A_176 = arith.constant dense<0xFF800000> : vector<32xf32>
    %reduce_max3A_177 = vector.multi_reduction <maximumf>, %select_n3A_175, %reduce_max3A_176 [1] : vector<32x16xf32> to vector<32xf32>
    %broadcast_in_dim3A_178 = vector.shape_cast %reduce_max3A_177 : vector<32xf32> to vector<32x1xf32>
    %eq3A_179 = vector.broadcast %broadcast_in_dim3A_178 : vector<32x1xf32> to vector<32x16xf32>
    %eq3A_180 = arith.cmpf oeq, %select_n3A_175, %eq3A_179 : vector<32x16xf32>
    %jit3A_181 = arith.constant 1073741824 : i32
    %broadcast_in_dim3A_182 = vector.broadcast %jit3A_181 : i32 to vector<32x16xi32>
    %select_n3A_183 = arith.select %eq3A_180, %concatenate3A_143, %broadcast_in_dim3A_182 : vector<32x16xi1>, vector<32x16xi32>
    %reduce_min3A_184 = arith.constant dense<2147483647> : vector<32xi32>
    %reduce_min3A_185 = vector.multi_reduction <minsi>, %select_n3A_183, %reduce_min3A_184 [1] : vector<32x16xi32> to vector<32xi32>
    %broadcast_in_dim3A_186 = vector.shape_cast %reduce_min3A_185 : vector<32xi32> to vector<32x1xi32>
    %eq3A_187 = vector.broadcast %broadcast_in_dim3A_186 : vector<32x1xi32> to vector<32x16xi32>
    %eq3A_188 = arith.cmpi eq, %concatenate3A_143, %eq3A_187 : vector<32x16xi32>
    %jit3A_189 = arith.constant 0xFF800000 : f32
    %broadcast_in_dim3A_190 = vector.broadcast %jit3A_189 : f32 to vector<32x16xf32>
    %select_n3A_191 = arith.select %eq3A_188, %broadcast_in_dim3A_190, %select_n3A_175 : vector<32x16xi1>, vector<32x16xf32>
    %reduce_max3A_192 = arith.constant dense<0xFF800000> : vector<32xf32>
    %reduce_max3A_193 = vector.multi_reduction <maximumf>, %select_n3A_191, %reduce_max3A_192 [1] : vector<32x16xf32> to vector<32xf32>
    %broadcast_in_dim3A_194 = vector.shape_cast %reduce_max3A_193 : vector<32xf32> to vector<32x1xf32>
    %eq3A_195 = vector.broadcast %broadcast_in_dim3A_194 : vector<32x1xf32> to vector<32x16xf32>
    %eq3A_196 = arith.cmpf oeq, %select_n3A_191, %eq3A_195 : vector<32x16xf32>
    %jit3A_197 = arith.constant 1073741824 : i32
    %broadcast_in_dim3A_198 = vector.broadcast %jit3A_197 : i32 to vector<32x16xi32>
    %select_n3A_199 = arith.select %eq3A_196, %concatenate3A_143, %broadcast_in_dim3A_198 : vector<32x16xi1>, vector<32x16xi32>
    %reduce_min3A_200 = arith.constant dense<2147483647> : vector<32xi32>
    %reduce_min3A_201 = vector.multi_reduction <minsi>, %select_n3A_199, %reduce_min3A_200 [1] : vector<32x16xi32> to vector<32xi32>
    %broadcast_in_dim3A_202 = vector.shape_cast %reduce_min3A_201 : vector<32xi32> to vector<32x1xi32>
    %eq3A_203 = vector.broadcast %broadcast_in_dim3A_202 : vector<32x1xi32> to vector<32x16xi32>
    %eq3A_204 = arith.cmpi eq, %concatenate3A_143, %eq3A_203 : vector<32x16xi32>
    %jit3A_205 = arith.constant 0xFF800000 : f32
    %broadcast_in_dim3A_206 = vector.broadcast %jit3A_205 : f32 to vector<32x16xf32>
    %select_n3A_207 = arith.select %eq3A_204, %broadcast_in_dim3A_206, %select_n3A_191 : vector<32x16xi1>, vector<32x16xf32>
    %reduce_max3A_208 = arith.constant dense<0xFF800000> : vector<32xf32>
    %reduce_max3A_209 = vector.multi_reduction <maximumf>, %select_n3A_207, %reduce_max3A_208 [1] : vector<32x16xf32> to vector<32xf32>
    %broadcast_in_dim3A_210 = vector.shape_cast %reduce_max3A_209 : vector<32xf32> to vector<32x1xf32>
    %eq3A_211 = vector.broadcast %broadcast_in_dim3A_210 : vector<32x1xf32> to vector<32x16xf32>
    %eq3A_212 = arith.cmpf oeq, %select_n3A_207, %eq3A_211 : vector<32x16xf32>
    %jit3A_213 = arith.constant 1073741824 : i32
    %broadcast_in_dim3A_214 = vector.broadcast %jit3A_213 : i32 to vector<32x16xi32>
    %select_n3A_215 = arith.select %eq3A_212, %concatenate3A_143, %broadcast_in_dim3A_214 : vector<32x16xi1>, vector<32x16xi32>
    %reduce_min3A_216 = arith.constant dense<2147483647> : vector<32xi32>
    %reduce_min3A_217 = vector.multi_reduction <minsi>, %select_n3A_215, %reduce_min3A_216 [1] : vector<32x16xi32> to vector<32xi32>
    %broadcast_in_dim3A_218 = vector.shape_cast %reduce_min3A_217 : vector<32xi32> to vector<32x1xi32>
    %eq3A_219 = vector.broadcast %broadcast_in_dim3A_218 : vector<32x1xi32> to vector<32x16xi32>
    %eq3A_220 = arith.cmpi eq, %concatenate3A_143, %eq3A_219 : vector<32x16xi32>
    %jit3A_221 = arith.constant 0xFF800000 : f32
    %broadcast_in_dim3A_222 = vector.broadcast %jit3A_221 : f32 to vector<32x16xf32>
    %select_n3A_223 = arith.select %eq3A_220, %broadcast_in_dim3A_222, %select_n3A_207 : vector<32x16xi1>, vector<32x16xf32>
    %reduce_max3A_224 = arith.constant dense<0xFF800000> : vector<32xf32>
    %reduce_max3A_225 = vector.multi_reduction <maximumf>, %select_n3A_223, %reduce_max3A_224 [1] : vector<32x16xf32> to vector<32xf32>
    %broadcast_in_dim3A_226 = vector.shape_cast %reduce_max3A_225 : vector<32xf32> to vector<32x1xf32>
    %eq3A_227 = vector.broadcast %broadcast_in_dim3A_226 : vector<32x1xf32> to vector<32x16xf32>
    %eq3A_228 = arith.cmpf oeq, %select_n3A_223, %eq3A_227 : vector<32x16xf32>
    %jit3A_229 = arith.constant 1073741824 : i32
    %broadcast_in_dim3A_230 = vector.broadcast %jit3A_229 : i32 to vector<32x16xi32>
    %select_n3A_231 = arith.select %eq3A_228, %concatenate3A_143, %broadcast_in_dim3A_230 : vector<32x16xi1>, vector<32x16xi32>
    %reduce_min3A_232 = arith.constant dense<2147483647> : vector<32xi32>
    %reduce_min3A_233 = vector.multi_reduction <minsi>, %select_n3A_231, %reduce_min3A_232 [1] : vector<32x16xi32> to vector<32xi32>
    %broadcast_in_dim3A_234 = vector.shape_cast %reduce_min3A_233 : vector<32xi32> to vector<32x1xi32>
    %eq3A_235 = vector.broadcast %broadcast_in_dim3A_234 : vector<32x1xi32> to vector<32x16xi32>
    %eq3A_236 = arith.cmpi eq, %concatenate3A_143, %eq3A_235 : vector<32x16xi32>
    %jit3A_237 = arith.constant 0xFF800000 : f32
    %broadcast_in_dim3A_238 = vector.broadcast %jit3A_237 : f32 to vector<32x16xf32>
    %select_n3A_239 = arith.select %eq3A_236, %broadcast_in_dim3A_238, %select_n3A_223 : vector<32x16xi1>, vector<32x16xf32>
    %reduce_max3A_240 = arith.constant dense<0xFF800000> : vector<32xf32>
    %reduce_max3A_241 = vector.multi_reduction <maximumf>, %select_n3A_239, %reduce_max3A_240 [1] : vector<32x16xf32> to vector<32xf32>
    %broadcast_in_dim3A_242 = vector.shape_cast %reduce_max3A_241 : vector<32xf32> to vector<32x1xf32>
    %eq3A_243 = vector.broadcast %broadcast_in_dim3A_242 : vector<32x1xf32> to vector<32x16xf32>
    %eq3A_244 = arith.cmpf oeq, %select_n3A_239, %eq3A_243 : vector<32x16xf32>
    %jit3A_245 = arith.constant 1073741824 : i32
    %broadcast_in_dim3A_246 = vector.broadcast %jit3A_245 : i32 to vector<32x16xi32>
    %select_n3A_247 = arith.select %eq3A_244, %concatenate3A_143, %broadcast_in_dim3A_246 : vector<32x16xi1>, vector<32x16xi32>
    %reduce_min3A_248 = arith.constant dense<2147483647> : vector<32xi32>
    %reduce_min3A_249 = vector.multi_reduction <minsi>, %select_n3A_247, %reduce_min3A_248 [1] : vector<32x16xi32> to vector<32xi32>
    %broadcast_in_dim3A_250 = vector.shape_cast %reduce_min3A_249 : vector<32xi32> to vector<32x1xi32>
    %eq3A_251 = vector.broadcast %broadcast_in_dim3A_250 : vector<32x1xi32> to vector<32x16xi32>
    %eq3A_252 = arith.cmpi eq, %concatenate3A_143, %eq3A_251 : vector<32x16xi32>
    %jit3A_253 = arith.constant 0xFF800000 : f32
    %broadcast_in_dim3A_254 = vector.broadcast %jit3A_253 : f32 to vector<32x16xf32>
    %select_n3A_255 = arith.select %eq3A_252, %broadcast_in_dim3A_254, %select_n3A_239 : vector<32x16xi1>, vector<32x16xf32>
    %reduce_max3A_256 = arith.constant dense<0xFF800000> : vector<32xf32>
    %reduce_max3A_257 = vector.multi_reduction <maximumf>, %select_n3A_255, %reduce_max3A_256 [1] : vector<32x16xf32> to vector<32xf32>
    %broadcast_in_dim3A_258 = vector.shape_cast %reduce_max3A_257 : vector<32xf32> to vector<32x1xf32>
    %eq3A_259 = vector.broadcast %broadcast_in_dim3A_258 : vector<32x1xf32> to vector<32x16xf32>
    %eq3A_260 = arith.cmpf oeq, %select_n3A_255, %eq3A_259 : vector<32x16xf32>
    %jit3A_261 = arith.constant 1073741824 : i32
    %broadcast_in_dim3A_262 = vector.broadcast %jit3A_261 : i32 to vector<32x16xi32>
    %select_n3A_263 = arith.select %eq3A_260, %concatenate3A_143, %broadcast_in_dim3A_262 : vector<32x16xi1>, vector<32x16xi32>
    %reduce_min3A_264 = arith.constant dense<2147483647> : vector<32xi32>
    %reduce_min3A_265 = vector.multi_reduction <minsi>, %select_n3A_263, %reduce_min3A_264 [1] : vector<32x16xi32> to vector<32xi32>
    %broadcast_in_dim3A_266 = vector.shape_cast %reduce_min3A_265 : vector<32xi32> to vector<32x1xi32>
    %concatenate3A_267 = tpu.concatenate %broadcast_in_dim3A_146, %broadcast_in_dim3A_162, %broadcast_in_dim3A_178, %broadcast_in_dim3A_194, %broadcast_in_dim3A_210, %broadcast_in_dim3A_226, %broadcast_in_dim3A_242, %broadcast_in_dim3A_258 in 1 : vector<32x1xf32>, vector<32x1xf32>, vector<32x1xf32>, vector<32x1xf32>, vector<32x1xf32>, vector<32x1xf32>, vector<32x1xf32>, vector<32x1xf32> -> vector<32x8xf32>
    %concatenate3A_268 = tpu.concatenate %broadcast_in_dim3A_154, %broadcast_in_dim3A_170, %broadcast_in_dim3A_186, %broadcast_in_dim3A_202, %broadcast_in_dim3A_218, %broadcast_in_dim3A_234, %broadcast_in_dim3A_250, %broadcast_in_dim3A_266 in 1 : vector<32x1xi32>, vector<32x1xi32>, vector<32x1xi32>, vector<32x1xi32>, vector<32x1xi32>, vector<32x1xi32>, vector<32x1xi32>, vector<32x1xi32> -> vector<32x8xi32>
    %swap3A = arith.constant 0 : index
    %swap3A_269 = arith.constant 0 : index
    %swap3A_270 = vector.load %arg5[%swap3A, %swap3A_269] : memref<32x8xf32, #tpu.memory_space<vmem>>, vector<32x8xf32>
    tpu.vector_store %arg5[%swap3A, %swap3A_269], %concatenate3A_267 {strides = array<i32>} : memref<32x8xf32, #tpu.memory_space<vmem>>, vector<32x8xf32>,
    %swap3A_271 = arith.constant 0 : index
    %swap3A_272 = arith.constant 0 : index
    %swap3A_273 = vector.load %arg6[%swap3A_271, %swap3A_272] : memref<32x8xi32, #tpu.memory_space<vmem>>, vector<32x8xi32>
    tpu.vector_store %arg6[%swap3A_271, %swap3A_272], %concatenate3A_268 {strides = array<i32>} : memref<32x8xi32, #tpu.memory_space<vmem>>, vector<32x8xi32>,
    %eq3A_274 = arith.constant 9 : i32
    %eq3A_275 = arith.cmpi eq, %arg0, %eq3A_274 : i32
    %convert_element_type3A_276 = arith.extui %eq3A_275 : i1 to i32
    %cond3A_277 = arith.constant 0 : i32
    %cond3A_278 = arith.cmpi ne, %convert_element_type3A_276, %cond3A_277 : i32
    scf.if %cond3A_278 {
      %get3A_279 = arith.constant 0 : index
      %get3A_280 = arith.constant 0 : index
      %get3A_281 = vector.load %arg6[%get3A_279, %get3A_280] : memref<32x8xi32, #tpu.memory_space<vmem>>, vector<32x8xi32>
      %swap3A_282 = arith.constant 0 : index
      %swap3A_283 = arith.constant 0 : index
      %swap3A_284 = vector.load %arg3[%swap3A_282, %swap3A_283] : memref<32x8xi32, #tpu.memory_space<vmem>>, vector<32x8xi32>
      tpu.vector_store %arg3[%swap3A_282, %swap3A_283], %get3A_281 {strides = array<i32>} : memref<32x8xi32, #tpu.memory_space<vmem>>, vector<32x8xi32>,
      %get3A_285 = arith.constant 0 : index
      %get3A_286 = arith.constant 0 : index
      %get3A_287 = vector.load %arg5[%get3A_285, %get3A_286] : memref<32x8xf32, #tpu.memory_space<vmem>>, vector<32x8xf32>
      %reduce_sum3A_288 = vector.shape_cast %get3A_287 : vector<32x8xf32> to vector<1x32x8xf32>
      %reduce_sum3A_289 = arith.constant dense<0.000000e+00> : vector<1xf32>
      %reduce_sum3A_290 = vector.multi_reduction <add>, %reduce_sum3A_288, %reduce_sum3A_289 [1, 2] : vector<1x32x8xf32> to vector<1xf32>
      %reduce_sum3A_291 = vector.shape_cast %reduce_sum3A_290 : vector<1xf32> to vector<1x1x1xf32>
      %reduce_sum3A_292 = vector.extract %reduce_sum3A_291[0, 0, 0] : f32 from vector<1x1x1xf32>
      %swap3A_293 = arith.constant 0 : index
      %swap3A_294 = arith.constant 0 : index
      %swap3A_295 = memref.load %arg4[%swap3A_293, %swap3A_294] : memref<1x1xf32, #tpu.memory_space<smem>>
      memref.store %reduce_sum3A_292, %arg4[%swap3A_293, %swap3A_294] : memref<1x1xf32, #tpu.memory_space<smem>>
    } else {
    }
    return
  }
  func.func @transform_0(%arg0: i32) -> (i32, i32) {
    %c0_i32 = arith.constant 0 : i32
    %c0_i32_0 = arith.constant 0 : i32
    %c0_i32_1 = arith.constant 0 : i32
    return %c0_i32, %c0_i32_0 : i32, i32
  }
  func.func @transform_1(%arg0: i32) -> (i32, i32) {
    %c0_i32 = arith.constant 0 : i32
    %c0_i32_0 = arith.constant 0 : i32
    return %arg0, %c0_i32 : i32, i32
  }
  func.func @transform_2(%arg0: i32) -> (i32, i32) {
    %c0_i32 = arith.constant 0 : i32
    %c0_i32_0 = arith.constant 0 : i32
    %c0_i32_1 = arith.constant 0 : i32
    return %c0_i32, %c0_i32_0 : i32, i32
  }
  func.func @transform_3(%arg0: i32) -> (i32, i32) {
    %c0_i32 = arith.constant 0 : i32
    %c0_i32_0 = arith.constant 0 : i32
    %c0_i32_1 = arith.constant 0 : i32
    return %c0_i32, %c0_i32_0 : i32, i32
  }
}

module attributes {stable_mosaic.version = 14 : i64} {
  func.func @_xnorm_body(%arg0: i32, %arg1: memref<4x2048x768xf32, #tpu.memory_space<vmem>>, %arg2: memref<768x768xf32, #tpu.memory_space<vmem>>, %arg3: memref<4x1x768xf32, #tpu.memory_space<vmem>>) attributes {dimension_semantics = [#tpu.dimension_semantics<arbitrary>], iteration_bounds = array<i64: 8>, scalar_prefetch = 0 : i64, scratch_operands = 0 : i64, tpu.core_type = #tpu.core_type<tc>, window_params = [{transform_indices = @transform_0, window_bounds = array<i64: 4, 2048, 768>}, {pipeline_mode = #tpu.pipeline_mode<synchronous>, transform_indices = @transform_1, window_bounds = array<i64: 768, 768>}, {transform_indices = @transform_2, window_bounds = array<i64: 4, 1, 768>}]} {
    %get3A = arith.constant 0 : index
    %get3A_0 = arith.constant 0 : index
    %get3A_1 = arith.constant 0 : index
    %get3A_2 = vector.load %arg1[%get3A, %get3A_0, %get3A_1] : memref<4x2048x768xf32, #tpu.memory_space<vmem>>, vector<4x2048x768xf32>
    %reduce_max3A = arith.constant dense<0xFF800000> : vector<4x768xf32>
    %reduce_max3A_3 = vector.multi_reduction <maximumf>, %get3A_2, %reduce_max3A [1] : vector<4x2048x768xf32> to vector<4x768xf32>
    %get3A_4 = arith.constant 0 : index
    %get3A_5 = arith.constant 0 : index
    %get3A_6 = vector.load %arg2[%get3A_4, %get3A_5] : memref<768x768xf32, #tpu.memory_space<vmem>>, vector<768x768xf32>
    %dot_general3A = arith.constant dense<0.000000e+00> : vector<4x768xf32>
    %dot_general3A_7 = tpu.matmul %reduce_max3A_3, %get3A_6, %dot_general3A {dimension_numbers = #tpu.dot_dimension_numbers<[1], [1], [0], [0], [0, 0, 1, 0], [], []>, transpose_lhs_hint = false} : vector<4x768xf32>, vector<768x768xf32>, vector<4x768xf32> -> vector<4x768xf32>
    %mul3A = arith.mulf %dot_general3A_7, %dot_general3A_7 : vector<4x768xf32>
    %reduce_sum3A = arith.constant dense<0.000000e+00> : vector<4xf32>
    %reduce_sum3A_8 = vector.multi_reduction <add>, %mul3A, %reduce_sum3A [1] : vector<4x768xf32> to vector<4xf32>
    %broadcast_in_dim3A = vector.shape_cast %reduce_sum3A_8 : vector<4xf32> to vector<4x1xf32>
    %max3A = arith.constant 9.99999996E-13 : f32
    %max3A_9 = vector.broadcast %max3A : f32 to vector<4x1xf32>
    %max3A_10 = arith.maximumf %broadcast_in_dim3A, %max3A_9 : vector<4x1xf32>
    %rsqrt3A = math.rsqrt %max3A_10 : vector<4x1xf32>
    %mul3A_11 = vector.broadcast %rsqrt3A : vector<4x1xf32> to vector<4x768xf32>
    %mul3A_12 = arith.mulf %dot_general3A_7, %mul3A_11 : vector<4x768xf32>
    %broadcast_in_dim3A_13 = vector.shape_cast %mul3A_12 : vector<4x768xf32> to vector<4x1x768xf32>
    %swap3A = arith.constant 0 : index
    %swap3A_14 = arith.constant 0 : index
    %swap3A_15 = arith.constant 0 : index
    %swap3A_16 = vector.load %arg3[%swap3A, %swap3A_14, %swap3A_15] : memref<4x1x768xf32, #tpu.memory_space<vmem>>, vector<4x1x768xf32>
    tpu.vector_store %arg3[%swap3A, %swap3A_14, %swap3A_15], %broadcast_in_dim3A_13 {strides = array<i32>} : memref<4x1x768xf32, #tpu.memory_space<vmem>>, vector<4x1x768xf32>,
    return
  }
  func.func @transform_0(%arg0: i32) -> (i32, i32, i32) {
    %c0_i32 = arith.constant 0 : i32
    %c0_i32_0 = arith.constant 0 : i32
    %c0_i32_1 = arith.constant 0 : i32
    return %arg0, %c0_i32, %c0_i32_0 : i32, i32, i32
  }
  func.func @transform_1(%arg0: i32) -> (i32, i32) {
    %c0_i32 = arith.constant 0 : i32
    %c0_i32_0 = arith.constant 0 : i32
    %c0_i32_1 = arith.constant 0 : i32
    return %c0_i32, %c0_i32_0 : i32, i32
  }
  func.func @transform_2(%arg0: i32) -> (i32, i32, i32) {
    %c0_i32 = arith.constant 0 : i32
    %c0_i32_0 = arith.constant 0 : i32
    %c0_i32_1 = arith.constant 0 : i32
    return %arg0, %c0_i32, %c0_i32_0 : i32, i32, i32
  }
}

</mosaic_0001>

<sc_bundles>
// kernel: kernel.5.cloned.1.call-start
scs
__scs_entry_jumppad:
0x0: {  	(pc) =	sbr.rel $0x88, $3  }
0x1: {  	(tag) =	ssettag $0x0;
	lr =	simm.s32 $0x1  }
0x2: {  	[smem:$0x3F9E] =	sst lr;
	_ =	strace $0xD0000000  }
0x3: {  	_ = 	snop  }
0x4: {  	_ = 	snop  }
0x5: {  	_ = 	snop  }
0x6: {  	_ = 	snop  }
0x7: {  	_ = 	snop  }
__scs_overlays_trampoline_lowered:
0x8: {  	[smem:$0x3FAD] =	sst s0  }
0x9: {  	[smem:$0x3FAE] =	sst s1  }
0xa: {  	[smem:$0x3FAF] =	sst s2  }
0xb: {  	[smem:$0x3FB0] =	sst s3  }
0xc: {  	[smem:$0x3FB1] =	sst s4  }
0xd: {  	[smem:$0x3FB2] =	sst s5  }
0xe: {  	[smem:$0x3FB3] =	sst s6  }
0xf: {  	[smem:$0x3FB4] =	sst s7  }
0x10: {  	[smem:$0x3FB5] =	sst s8  }
0x11: {  	[smem:$0x3FB6] =	sst s9;
	s0 =	simm.s32 @!p0 $0x0  }
0x12: {  	s1 =	sld [smem:$0x3F9C];
	s0 =	simm.s32 @p0 $0x1  }
0x13: {  	[smem:$0x3FB7] =	sst s0;
	s0 =	simm.s32 @!p1 $0x0  }
0x14: {  	s2 =	sld [smem:$0x3F9B];
	s0 =	simm.s32 @p1 $0x1  }
0x15: {  	[smem:$0x3FB8] =	sst s0;
	s0 =	simm.s32 @!p2 $0x0  }
0x16: {  	s3 =	sld [smem:$0x3FDB];
	s0 =	simm.s32 @p2 $0x1  }
0x17: {  	s4 =	simm.s32 $0x1BF5;
	[smem:$0x3FBA] =	sst s0  }
0x18: {  	s0 =	sld [smem:$0x3F9D];
	_ =	swait.ge [sflag:s4], $0x0  }
0x19: {  	s7 =	sld [smem:$0x3F9E]  }
0x1a: {  	s8 =	sadd.s32 $0xFFFFE003, lr  }
0x1b: {  	s9 =	sadd.s32 $0xFFFFFEF7, lr;
	s5 =	simm.s32 $0xFFFFFFFF;
	p2 =	slt.u32 s8, $0xFFFFF086  }
0x1c: {  	p1 =	slt.u32 s9, $0xF7A;
	s5 =	simm.s32 @!p2 $0x0  }
0x1d: {  	s5 =	simm.s32 @p1 $0x1;
	p0 =	seq.s32 s7, s2  }
0x1e: {  	s7 =	smul.u32 @!p0 $0xF7A, s2;
	p2 =	seq.s32 @!p0 s5, $0x0  }
0x1f: {  	s9 =	smul.u32 $0xF7A, s1;
	s8 =	simm.s32 @!p0 $0x1BF5;
	p2 =	por !p2, p0  }
0x20: {  	[sflag:s8] =	ssyncset.s32 @!p0 $0xFFFFF086;
	s6 =	sadd.s32 @!p0 s3, s7;
	s7 =	simm.s32 @!p0 $0x108  }
0x21: {  	s3 =	sadd.s32 s3, s9;
	s6 =	sadd.s32 @!p0 $0x88, s6;
	s7 =	simm.s32 @p2 $0x1082  }
0x22: {  	[simem:s7], [sflag:s8] =	dma.local @!p0 [hbm:s6], $0xF7A  }
0x23: {  	s9 =	sor.u32 $0xD0000000, s2;
	s6 =	simm.s32 $0x108;
	_ =	swait.ge @!p0 [sflag:s8], $0x0  }
0x24: {  	s3 =	sadd.s32 $0x88, s3;
	s6 =	simm.s32 @!p1 $0x1082;
	[sflag:s4] =	ssyncset.s32 $0xFFFFF086  }
0x25: {  	[simem:s6], [sflag:s4] =	dma.local [hbm:s3], $0xF7A  }
0x26: {  	[smem:$0x3F9E] =	sst s1;
	(tag) =	ssettag s2;
	_ =	strace s9  }
0x27: {  	s1 =	sld [smem:$0x3FAE]  }
0x28: {  	s2 =	sld [smem:$0x3FAF]  }
0x29: {  	s4 =	sld [smem:$0x3FB1]  }
0x2a: {  	p0 =	seq.s32 s5, $0x0;
	s5 =	sld [smem:$0x3FB2]  }
0x2b: {  	s6 =	sld [smem:$0x3FB3]  }
0x2c: {  	s7 =	sld [smem:$0x3FB4]  }
0x2d: {  	s3 =	simm.s32 $0x108;
	s8 =	sld [smem:$0x3FB5]  }
0x2e: {  	s3 =	simm.s32 @!p0 $0x1082;
	s9 =	sld [smem:$0x3FB6]  }
0x2f: {  	lr =	sadd.s32 s0, s3;
	s0 =	sld [smem:$0x3FAD]  }
0x30: {  	s3 =	sld [smem:$0x3FB0]  }
0x31: {  	[smem:$0x3FB9] =	sst s10  }
0x32: {  	s10 =	sld [smem:$0x3FB7];
	_ =	sdelay $0x3  }
0x33: {  	p0 =	seq.s32 s10, $0x1;
	s10 =	sld [smem:$0x3FB9];
	_ =	sdelay $0x3  }
0x34: {  	[smem:$0x3FB9] =	sst s10  }
0x35: {  	s10 =	sld [smem:$0x3FB8];
	_ =	sdelay $0x3  }
0x36: {  	p1 =	seq.s32 s10, $0x1;
	s10 =	sld [smem:$0x3FB9];
	_ =	sdelay $0x3  }
0x37: {  	[smem:$0x3FB9] =	sst s10  }
0x38: {  	s10 =	sld [smem:$0x3FBA]  }
0x39: {  	_ = 	snop;
	(pc) =	sbr.ind lr, $3  }
0x3a: {  	_ = 	snop  }
0x3b: {  	_ = 	snop  }
0x3c: {  	p2 =	seq.s32 s10, $0x1;
	s10 =	sld [smem:$0x3FB9]  }
0x3d: {  	_ =	shalt  }
0x3e: {  	_ =	shalt  }
0x3f: {  	_ =	shalt  }
0x40: {  	_ =	shalt  }
0x41: {  	_ =	shalt  }
0x42: {  	_ =	shalt  }
0x43: {  	_ =	shalt  }
0x44: {  	_ =	shalt  }
0x45: {  	_ =	shalt  }
0x46: {  	_ =	shalt  }
0x47: {  	_ =	shalt  }
0x48: {  	_ =	shalt  }
0x49: {  	_ =	shalt  }
0x4a: {  	_ =	shalt  }
0x4b: {  	_ =	shalt  }
0x4c: {  	_ =	shalt  }
0x4d: {  	_ =	shalt  }
0x4e: {  	_ =	shalt  }
0x4f: {  	_ =	shalt  }
0x50: {  	_ =	shalt  }
0x51: {  	_ =	shalt  }
0x52: {  	_ =	shalt  }
0x53: {  	_ =	shalt  }
0x54: {  	_ =	shalt  }
0x55: {  	_ =	shalt  }
0x56: {  	_ =	shalt  }
0x57: {  	_ =	shalt  }
0x58: {  	_ =	shalt  }
0x59: {  	_ =	shalt  }
0x5a: {  	_ =	shalt  }
0x5b: {  	_ =	shalt  }
0x5c: {  	_ =	shalt  }
0x5d: {  	_ =	shalt  }
0x5e: {  	_ =	shalt  }
0x5f: {  	_ =	shalt  }
0x60: {  	_ =	shalt  }
0x61: {  	_ =	shalt  }
0x62: {  	_ =	shalt  }
0x63: {  	_ =	shalt  }
0x64: {  	_ =	shalt  }
0x65: {  	_ =	shalt  }
0x66: {  	_ =	shalt  }
0x67: {  	_ =	shalt  }
0x68: {  	_ =	shalt  }
0x69: {  	_ =	shalt  }
0x6a: {  	_ =	shalt  }
0x6b: {  	_ =	shalt  }
0x6c: {  	_ =	shalt  }
0x6d: {  	_ =	shalt  }
0x6e: {  	_ =	shalt  }
0x6f: {  	_ =	shalt  }
0x70: {  	_ =	shalt  }
0x71: {  	_ =	shalt  }
0x72: {  	_ =	shalt  }
0x73: {  	_ =	shalt  }
0x74: {  	_ =	shalt  }
0x75: {  	_ =	shalt  }
0x76: {  	_ =	shalt  }
0x77: {  	_ =	shalt  }
0x78: {  	_ =	shalt  }
0x79: {  	_ =	shalt  }
0x7a: {  	_ =	shalt  }
0x7b: {  	_ =	shalt  }
0x7c: {  	_ =	shalt  }
0x7d: {  	_ =	shalt  }
0x7e: {  	_ =	shalt  }
0x7f: {  	_ =	shalt  }
0x80: {  	_ =	shalt  }
0x81: {  	_ =	shalt  }
0x82: {  	_ =	shalt  }
0x83: {  	_ =	shalt  }
0x84: {  	_ =	shalt  }
0x85: {  	_ =	shalt  }
0x86: {  	_ =	shalt  }
0x87: {  	_ =	shalt  }
.Lfunc_end0:
.L_simem_size_0:
called_computation_lowered:
.L_overlay_start_0:
0x88: {  	s2 =	sld [smem:$0x3FD9]  }
0x89: {  	s3 =	sld [smem:$0x3FFE];
	_ =	sdelay $0x1  }
0x8a: {  	s1 =	srdreg.scid  }
0x8b: {  	s0 =	sand.u32 $0x1, s1  }
0x8c: {  	s14 =	sshll.u32 s0, $0xA;
	s2 =	sadd.s32 s3, s2  }
0x8d: {  	s2 =	sadd.s32 s2, s14  }
0x8e: {  	[smem:$0x3FC5] =	sst s2  }
0x8f: {  	_ = 	snop  }
0x90: {  	s2 =	sld [smem:$0x3FD0];
	_ =	sdelay $0x2  }
0x91: {  	s4 =	simm.s32 $0xA;
	s5 =	simm.s32 $0x10;
	s15 =	sld [smem:$0x3FC8]  }
0x92: {  	[smem:s5], [sflag:s4] =	dma.local [hbm:s2], $0x1  }
0x93: {  	_ =	swait.eq [sflag:s4], $0x1  }
0x94: {  	[sflag:s4] =	ssyncset.done $0x0  }
0x95: {  	[sflag:s4] =	ssyncadd.s32 $0xFFFFFFFF  }
0x96: {  	s16 =	sld [smem:$0x11];
	(tm) =	ssettm $0x1  }
0x97: {  	s17 =	sld [smem:$0x3FFB];
	_ =	sdelay $0x3  }
0x98: {  	_ =	strace s17  }
0x99: {  	s4 =	sld [smem:$0x3FFC];
	_ =	sdelay $0x3  }
0x9a: {  	_ =	strace s4  }
0x9b: {  	s4 =	sld [smem:$0x3FFD];
	_ =	sdelay $0x3  }
0x9c: {  	_ =	strace s4  }
0x9d: {  	_ =	strace $0x8FFFFFFF  }
0x9e: {  	s18 =	sld [smem:$0x3FDB];
	_ =	sdelay $0x1  }
0x9f: {  	s19 =	simm.s32 $_scs_section_size  }
0xa0: {  	s6 =	simm.s32 $_size__tile_overlayer_lowered;
	s7 =	simm.s32 $_tile_overlayer_lowered  }
0xa1: {  	s22 =	simm.s32 $0x1BFF;
	s21 =	sshll.u32 s7, $0x1;
	s4 =	sadd.s32 s19, s18  }
0xa2: {  	s8 =	simm.s32 $0x0;
	s20 =	sshll.u32 s6, $0x1;
	s6 =	sadd.s32 s21, s4  }
0xa3: {  	[timem:s8], [sflag:s22] =	dma.local [hbm:s6], s20  }
0xa4: {  	_ =	swait.ge [sflag:s22], s20  }
0xa5: {  	s5 =	ssub.s32 $0x0, s20;
	[sflag:s22] =	ssyncset.done $0x0  }
0xa6: {  	[sflag:s22] =	ssyncadd.s32 s5;
	_ =	sdelay $0x1  }
0xa7: {  	s23 =	simm.s32 $0x1B8B  }
0xa8: {  	_ =	swait.ge [sflag:s23], $0x1  }
0xa9: {  	[sflag:s23] =	ssyncset.done $0x0  }
0xaa: {  	s25 =	simm.s32 $0x1B8E;
	s24 =	sld [smem:$0x3FFE];
	[sflag:s23] =	ssyncadd.s32 $0xFFFFFFFF  }
0xab: {  	s26 =	simm.s32 $execute0_lowered;
	[smem:$0x3FD2] =	sst s25  }
0xac: {  	s6 =	sshll.u32 s26, $0x1;
	_ =	strace $0x80000046;
	[dreg:$0x1] =	wrdreg $0xFFFFFFFF  }
0xad: {  	s28 =	simm.s32 $_size_execute0_lowered;
	s4 =	sadd.s32 s4, s6;
	[dreg:$0x0] =	wrdreg $0x0  }
0xae: {  	s6 =	sshll.u32 s28, $0x1;
	[dreg:$0x2] =	wrdreg s4  }
0xaf: {  	[dreg:$0x3] =	wrdreg s6  }
0xb0: {  	[dreg:$0x4] =	wrdreg $0xC0  }
0xb1: {  	_ =	task [dreg:s8], $0x5FFFF  }
0xb2: {  	[dreg:$0x1] =	wrdreg $0xFFFFFFFF  }
0xb3: {  	[dreg:$0x0] =	wrdreg $0x60  }
0xb4: {  	[dreg:$0x2] =	wrdreg s15  }
0xb5: {  	[dreg:$0x3] =	wrdreg s24  }
0xb6: {  	[dreg:$0x4] =	wrdreg s16  }
0xb7: {  	[dreg:$0x5] =	wrdreg $0x9  }
0xb8: {  	_ =	task.clear_ibuf [dreg:s8], $0x6FFFF;
	_ =	strace $0x90000046  }
0xb9: {  	s29 =	simm.s32 $0x9;
	_ =	strace $0x80000048  }
0xba: {  	_ =	swait.ge [sflag:s29], $0x1  }
0xbb: {  	[sflag:s29] =	ssyncadd.s32 $0xFFFFFFFF  }
0xbc: {  	_ =	strace $0x90000048  }
0xbd: {  	_ =	sfence  }
0xbe: {  	s30 =	sld [smem:$0x0];
	_ =	sdelay $0x2  }
0xbf: {  	s31 =	sshll.u32 s1, $0xD;
	s1 =	sshrl.u32 s1, $0x2  }
0xc0: {  	s3 =	sand.u32 $0x4000, s31;
	s1 =	sadd.s32 s1, s30  }
0xc1: {  	s0 =	sor.u32 s3, s0;
	s1 =	sshll.u32 s1, $0x11  }
0xc2: {  	s0 =	sor.u32 s1, s0  }
0xc3: {  	s0 =	sadd.s32 $0x8F2B, s0  }
0xc4: {  	[sflag:s0] =	ssyncadd.remote.s32 $0x1  }
0xc5: {  	_ =	sfence.sel $0xFFFF  }
0xc6: {  	[dreg:$0x0] =	wrdreg $0xFFFFFFFF;
	(pc) =	sbr.abs _section_cstart, $3  }
0xc7: {  	[dreg:$0x1] =	wrdreg $0xFFFFFFFF  }
0xc8: {  	_ =	task.clear_ibuf [dreg:s8], $0x2FFFF;
	_ =	strace $0x9FFFFFFF  }
0xc9: {  	(tm) =	ssettm $0x7FFFFFFF  }
tec
execute0_lowered:
.L_overlay_start_1:
0x0: {  	(tag) =	ssettag $0x1  }
0x1: {  	s2 =	rddreg [dreg:$0x0]  }
0x2: {  	s4 =	rddreg [dreg:$0x1]  }
0x3: {  	s1 =	srdreg.scid;
	s0 =	stileid.u32  }
0x4: {  	s12 =	rddreg [dreg:$0x2];
	s7 =	sand.u32 $0x1, s1;
	s5 =	sshll.u32 s0, $0x1  }
0x5: {  	s3 =	simm.s32 $0x0;
	s1 =	rddreg [dreg:$0x3];
	s13 =	sor.u32 s7, s5  }
0x6: {  	[smem:$0x7FF] =	sst s3;
	s4 =	sadd.s32 s13, s4  }
0x7: {  	_ =	strace $0x80000047;
	s5 =	sadd.s32 $0x600, s4;
	s4 =	simm.s32 $0x2  }
0x8: {  	[tilespmem:s3], [sflag:$0x2] =	stream.linear.gather [hbm4b:s5+s3], $0x8, $0x38;
	[tilespmem:$0x1880] =	vst v63  }
0x9: {  	_ =	swait.ge [sflag:s4], $0x8  }
0xa: {  	[sflag:s4] =	ssyncset.done $0x0  }
0xb: {  	[sflag:s4] =	ssyncadd.s32 $0xFFFFFFF8  }
0xc: {  	v0 =	vld.msk [tilespmem:$0x0], $0xff;
	_ =	sdelay $0x4  }
0xd: {  	v1 =	vshrl.u32 v0, $0x3  }
0xe: {  	v1 =	vmul.u32 $0x30, v1  }
0xf: {  	v2 =	vlaneseq.u32;
	v3 =	vand.u32 $0x7, v0  }
0x10: {  	v0 =	vand.u32 $0x7, v2;
	v2 =	vshrl.u32 v2, $0x3;
	v3 =	vor.u32 v3, v1  }
0x11: {  	v1 =	vmul.u32 $0x8, v2;
	v2 =	vperm.xlane v3, v0;
	_ =	sdelay $0x1  }
0x12: {  	v2 =	vadd.s32 v1, v2;
	_ =	sdelay $0x2  }
0x13: {  	s14 =	ssub.s32 $0x2, s7  }
0x14: {  	vm0 =	vmmov $0xffff;
	s6 =	simm.s32 $0x80;
	s8 =	simm.s32 $0x880;
	s15 =	sshrl.u32 s14, $0x1  }
0x15: {  	[tilespmem:s6], [sflag:$0x1] =	stream.indirect_vreg.gather [hbm4b:s2+s3], $0x80, v2, vm0, $0xb8;
	[tilespmem:$0x1880] =	vst v63  }
0x16: {  	s10 =	simm.s32 $0x1080;
	s7 =	sadd.s32 $0x100, s2;
	s14 =	ssub.s32 s14, s15  }
0x17: {  	[tilespmem:s8], [sflag:$0x1] =	stream.indirect_vreg.gather [hbm4b:s7+s3], $0x80, v2, vm0, $0xb8;
	[tilespmem:$0x1880] =	vst v63  }
0x18: {  	s11 =	simm.s32 $0x1;
	s9 =	sadd.s32 $0x200, s2;
	s31 =	smax.u32 s14, $0x1  }
0x19: {  	[tilespmem:s10], [sflag:$0x1] =	stream.indirect_vreg.gather [hbm4b:s9+s3], $0x80, v2, vm0, $0xb8;
	[tilespmem:$0x1880] =	vst v63  }
0x1a: {  	s13 =	smul.u32 $0x300, s13;
	p0 =	sne.s32 s31, $0x1;
	_ =	swait.ge [sflag:s11], $0x1800  }
.Ltmp0:
0x1b: {  	[sflag:s11] =	ssyncset.done $0x0;
	(pc) =	sbr.rel @!p0 .LBB2_2-.Ltmp0, $4  }
0x1c: {  	s12 =	sadd.s32 s12, s13;
	[sflag:s11] =	ssyncadd.s32 $0xFFFFE800  }
0x1d: {  	[hbm4b:s12+s3] =	stream.linear.scatter [tilespmem:s6], [sflag:$0x2], $0x1800, $0x38;
	[tilespmem:$0x1880] =	vst v63  }
0x1e: {  	_ =	swait.ge [sflag:s4], $0x1800  }
0x1f: {  	s13 =	sadd.s32 $0xFFFFFFFF, s31;
	[sflag:s4] =	ssyncset.done $0x0  }
.LBB2_1:
0x20: {  	p0 =	sne.s32 s13, $0x1;
	s13 =	sadd.s32 $0xFFFFFFFF, s13;
	[sflag:s4] =	ssyncadd.s32 $0xFFFFE800  }
0x21: {  	[tilespmem:s3], [sflag:$0x2] =	stream.linear.gather [hbm4b:s5+s3], $0x8, $0x38;
	[tilespmem:$0x1880] =	vst v63  }
0x22: {  	_ =	swait.ge [sflag:s4], $0x8  }
0x23: {  	[sflag:s4] =	ssyncset.done $0x0  }
0x24: {  	[sflag:s4] =	ssyncadd.s32 $0xFFFFFFF8  }
0x25: {  	v2 =	vld.msk [tilespmem:$0x0], $0xff;
	_ =	sdelay $0x4  }
0x26: {  	v3 =	vshrl.u32 v2, $0x3  }
0x27: {  	v3 =	vmul.u32 $0x30, v3  }
0x28: {  	v2 =	vand.u32 $0x7, v2  }
0x29: {  	v2 =	vor.u32 v2, v3  }
0x2a: {  	v2 =	vperm.xlane v2, v0;
	_ =	sdelay $0x1  }
0x2b: {  	v2 =	vadd.s32 v1, v2;
	_ =	sdelay $0x4  }
0x2c: {  	[tilespmem:s6], [sflag:$0x1] =	stream.indirect_vreg.gather [hbm4b:s2+s3], $0x80, v2, vm0, $0xb8;
	[tilespmem:$0x1880] =	vst v63  }
0x2d: {  	_ = 	snop  }
0x2e: {  	[tilespmem:s8], [sflag:$0x1] =	stream.indirect_vreg.gather [hbm4b:s7+s3], $0x80, v2, vm0, $0xb8;
	[tilespmem:$0x1880] =	vst v63  }
0x2f: {  	_ = 	snop  }
0x30: {  	[tilespmem:s10], [sflag:$0x1] =	stream.indirect_vreg.gather [hbm4b:s9+s3], $0x80, v2, vm0, $0xb8;
	[tilespmem:$0x1880] =	vst v63  }
0x31: {  	_ =	swait.ge [sflag:s11], $0x1800  }
.Ltmp1:
0x32: {  	[sflag:s11] =	ssyncset.done $0x0;
	(pc) =	sbr.rel @p0 .LBB2_1-.Ltmp1, $4  }
0x33: {  	[sflag:s11] =	ssyncadd.s32 $0xFFFFE800  }
0x34: {  	[hbm4b:s12+s3] =	stream.linear.scatter [tilespmem:s6], [sflag:$0x2], $0x1800, $0x38;
	[tilespmem:$0x1880] =	vst v63  }
0x35: {  	_ =	swait.ge [sflag:s4], $0x1800  }
0x36: {  	[sflag:s4] =	ssyncset.done $0x0  }
.LBB2_2:
0x37: {  	[sflag:s4] =	ssyncadd.s32 $0xFFFFE800  }
0x38: {  	_ =	sfence.sel $0x180000  }
0x39: {  	[bflag:$0x0] =	sbarrier.arrive $0xFFFF  }
0x3a: {  	p0 =	sne.s32 s0, $0x0;
	_ =	strace $0x90000047  }
0x3b: {  	s0 =	sadd.s32 @!p0 $0x100000, s1;
	[bflag:$0x2] =	sbarrier.arrive $0xFFFF  }
0x3c: {  	[sflag:s0] =	ssyncadd.tile.s32 @!p0 $0x1;
	_ =	shalt  }
.Lfunc_end2:
_tile_overlayer_lowered:
.L_overlay_start_2:
0x3d: {  	(tag) =	ssettag $0x2  }
0x3e: {  	s0 =	rddreg [dreg:$0x0];
	s2 =	stileid.u32  }
0x3f: {  	s1 =	rddreg [dreg:$0x1];
	p0 =	sne.s32 s2, $0x0  }
0x40: {  	s3 =	rddreg [dreg:$0x2];
	[bflag:$0x3] =	sbarrier.arrive $0xFFFF;
	s2 =	simm.s32 @!p0 $0x1C02  }
0x41: {  	[timem:s3], [sflag:s2] =	dma.local @!p0 [hbm:s0], s1  }
0x42: {  	s0 =	simm.s32 @!p0 $0x2  }
0x43: {  	_ =	swait.ge @!p0 [sflag:s0], s1  }
0x44: {  	s1 =	ssub.s32 @!p0 $0x0, s1;
	[sflag:s0] =	ssyncset.done @!p0 $0x0  }
0x45: {  	[sflag:s0] =	ssyncadd.s32 @!p0 s1  }
0x46: {  	[bflag:$0x3] =	sbarrier.arrive $0xFFFF  }
0x47: {  	_ =	shalt  }

</sc_bundles>
